<compile_context>
chip_gen: v7x
topology: tpu7x:2x2x1
jax: 0.10.2.dev20260603
libtpu: 0.0.44.dev20260713+nightly
codegen_flags: <defaults>
</compile_context>

<pallas_src>
import jax
import jax.numpy as jnp
from jax import lax
from jax.experimental import pallas as pl
from jax.experimental.pallas import tpu as pltpu
from jax.experimental.pallas import tpu_sc as plsc

_NC = 2
_NS = 16
_NW = _NC * _NS


def kernel(rank_idxs, suit_idxs, rank_table, suit_table):
    B, H = rank_idxs.shape
    V_rank, D = rank_table.shape
    V_suit = suit_table.shape[0]
    V = V_rank + V_suit

    table = jnp.concatenate([rank_table, suit_table], axis=0)

    idx = jnp.stack(
        [rank_idxs.astype(jnp.int32), suit_idxs.astype(jnp.int32) + V_rank],
        axis=-1,
    ).reshape(B * H * 2)

    N = B * H * 2
    C = 40
    assert N % (_NW * C) == 0
    per_w = N // _NW
    steps = per_w // C

    mesh = plsc.VectorSubcoreMesh(core_axis_name="c", subcore_axis_name="s")

    @jax.jit
    def run(table, idx):
        @pl.kernel(
            out_type=jax.ShapeDtypeStruct((N, D), jnp.float32),
            mesh=mesh,
            scratch_types=[
                pltpu.VMEM((2, C), jnp.int32),
                pltpu.VMEM((C, D), jnp.float32),
                pltpu.VMEM((C, D), jnp.float32),
                pltpu.SemaphoreType.DMA,
                pltpu.SemaphoreType.DMA,
                pltpu.SemaphoreType.DMA,
            ],
        )
        def k(table_hbm, idx_hbm, out_hbm, idx_v, rows_a, rows_b,
              gsem, wsem_a, wsem_b):
            sid = lax.axis_index("s")
            wid = sid * _NC + lax.axis_index("c")
            base = wid * per_w

            rows = (rows_a, rows_b)
            wsems = (wsem_a, wsem_b)

            @pl.loop(0, steps, step=2)
            def _(it):
                for b in range(2):
                    step = it + b
                    off = base + step * C

                    @pl.when(step >= 2)
                    def _():
                        pltpu.make_async_copy(
                            rows[b], out_hbm.at[pl.ds(off - 2 * C, C)],
                            wsems[b],
                        ).wait()

                    pltpu.sync_copy(idx_hbm.at[pl.ds(off, C)],
                                    idx_v.at[b])
                    pltpu.async_copy(table_hbm.at[idx_v.at[b]], rows[b],
                                     gsem).wait()
                    pltpu.async_copy(rows[b], out_hbm.at[pl.ds(off, C)],
                                     wsems[b])

            for b in range(2):
                off = base + (steps - 2 + b) * C
                pltpu.make_async_copy(
                    rows[b], out_hbm.at[pl.ds(off, C)], wsems[b]
                ).wait()

        return k(table, idx)

    out = run(table, idx)
    return out.reshape(B, H, 2 * D)

# --- scband reference (transcript-rebuilt; emitter-appended) ---
"""Pipeline reference for scband-cards-55362128446035 (READ-ONLY COPY).

The authoritative reference and input builder live on the scoring server;
editing this copy changes nothing except your own understanding.
"""

import jax, jax.numpy as jnp
import numpy as np

NUM_RANKS = 14
NUM_SUITS = 5
EMBED_DIM = 1024
BATCH = 16384
HIST = 50


def setup_inputs(seed: int = 0) -> dict:
    key = jax.random.key(seed)
    k1, k2, k3, k4 = jax.random.split(key, 4)
    rank_idxs = jax.random.randint(k1, (BATCH, HIST), 0, NUM_RANKS, dtype=jnp.int64 if jax.config.jax_enable_x64 else jnp.int32)
    suit_idxs = jax.random.randint(k2, (BATCH, HIST), 0, NUM_SUITS, dtype=jnp.int64 if jax.config.jax_enable_x64 else jnp.int32)
    # learned parameters (torch.nn.Embedding default init: N(0, 1))
    rank_table = jax.random.normal(k3, (NUM_RANKS, EMBED_DIM), dtype=jnp.float32)
    suit_table = jax.random.normal(k4, (NUM_SUITS, EMBED_DIM), dtype=jnp.float32)
    return {
        "rank_idxs": rank_idxs,
        "suit_idxs": suit_idxs,
        "rank_table": rank_table,
        "suit_table": suit_table,
    }


def reference(rank_idxs, suit_idxs, rank_table, suit_table):
    # rank_embedder(rank_idxs) -> gather rows of rank_table
    rank_emb = jnp.take(rank_table, rank_idxs, axis=0)
    suit_emb = jnp.take(suit_table, suit_idxs, axis=0)
    # torch.cat([...], dim=-1)
    return jnp.concatenate([rank_emb, suit_emb], axis=-1)

if __name__ == "__main__":
    import jax
    _d = setup_inputs()
    print(jax.jit(kernel)(*tuple(_d.values())))

</pallas_src>

<mosaic_0001>
#map = affine_map<(d0, d1) -> (0, 0)>
#map1 = affine_map<(d0, d1) -> (0)>
module attributes {stable_mosaic.version = 14 : i64} {
  func.func @k(%arg0: i32, %arg1: i32, %arg2: memref<19x1024xf32, #tpu.memory_space<hbm>>, %arg3: memref<1638400xi32, #tpu.memory_space<hbm>>, %arg4: memref<1638400x1024xf32, #tpu.memory_space<hbm>>, %arg5: memref<2x40xi32, #tpu.memory_space<vmem>>, %arg6: memref<40x1024xf32, #tpu.memory_space<vmem>>, %arg7: memref<40x1024xf32, #tpu.memory_space<vmem>>, %arg8: memref<!tpu.dma_semaphore, #tpu.memory_space<semaphore_mem>>, %arg9: memref<!tpu.dma_semaphore, #tpu.memory_space<semaphore_mem>>, %arg10: memref<!tpu.dma_semaphore, #tpu.memory_space<semaphore_mem>>) attributes {dimension_semantics = [#tpu.dimension_semantics<core_parallel>, #tpu.dimension_semantics<subcore_parallel>], iteration_bounds = array<i64: 2, 16>, scalar_prefetch = 0 : i64, scratch_operands = 6 : i64, tpu.core_type = #tpu.core_type<sc_vector_subcore>, window_params = [{transform_indices = #map}, {transform_indices = #map1}, {transform_indices = #map}]} {
    %mul3A = arith.constant 2 : i32
    %mul3A_0 = arith.muli %arg1, %mul3A : i32
    %add3A = arith.addi %mul3A_0, %arg0 : i32
    %mul3A_1 = arith.constant 51200 : i32
    %mul3A_2 = arith.muli %add3A, %mul3A_1 : i32
    %scan3A = arith.constant 0 : i32
    %scan3A_3 = arith.constant 640 : i32
    %scan3A_4 = arith.addi %scan3A, %scan3A_3 : i32
    %scan3A_5 = arith.constant 1 : i32
    scf.for %scan3A_18 = %scan3A to %scan3A_4 step %scan3A_5  : i32 {
      %mul3A_19 = arith.constant 2 : i32
      %mul3A_20 = arith.muli %scan3A_18, %mul3A_19 : i32
      %add3A_21 = arith.constant 0 : i32
      %add3A_22 = arith.addi %add3A_21, %mul3A_20 : i32
      %add3A_23 = arith.constant 0 : i32
      %add3A_24 = arith.addi %add3A_22, %add3A_23 : i32
      %mul3A_25 = arith.constant 40 : i32
      %mul3A_26 = arith.muli %add3A_24, %mul3A_25 : i32
      %add3A_27 = arith.addi %mul3A_2, %mul3A_26 : i32
      %ge3A = arith.constant 2 : i32
      %ge3A_28 = arith.cmpi sge, %add3A_24, %ge3A : i32
      %convert_element_type3A = arith.extui %ge3A_28 : i1 to i32
      %cond3A = arith.constant 0 : i32
      %cond3A_29 = arith.cmpi ne, %convert_element_type3A, %cond3A : i32
      scf.if %cond3A_29 {
        %sub3A = arith.constant 80 : i32
        %sub3A_76 = arith.subi %add3A_27, %sub3A : i32
        %dma_wait3A_77 = arith.constant 0 : i32
        %dma_wait3A_78 = tpu.memref_slice %arg4[%sub3A_76, %dma_wait3A_77] : memref<1638400x1024xf32, #tpu.memory_space<hbm>> -> memref<40x1024xf32, #tpu.memory_space<hbm>>
        %dma_wait3A_79 = arith.constant 0 : i32
        %dma_wait3A_80 = tpu.memref_slice %arg4[%sub3A_76, %dma_wait3A_79] : memref<1638400x1024xf32, #tpu.memory_space<hbm>> -> memref<40x1024xf32, #tpu.memory_space<hbm>>
        tpu.wait_dma2 semaphore(%arg9 : memref<!tpu.dma_semaphore, #tpu.memory_space<semaphore_mem>>) src(%arg6 : memref<40x1024xf32, #tpu.memory_space<vmem>>) dst(%dma_wait3A_80 : memref<40x1024xf32, #tpu.memory_space<hbm>>)
      } else {
      }
      %run_scoped3A = arith.constant 0 : i32
      "tpu.region"() ({
        %run_scoped3A_76 = tpu.sem_alloc : memref<!tpu.dma_semaphore, #tpu.memory_space<semaphore_mem>>
        %dma_start3A_77 = arith.constant 0 : i32
        %dma_start3A_78 = tpu.memref_slice %arg5[%run_scoped3A, %dma_start3A_77] : memref<2x40xi32, #tpu.memory_space<vmem>> -> memref<1x40xi32, #tpu.memory_space<vmem>>
        %dma_start3A_79 = tpu.memref_squeeze %dma_start3A_78 : memref<1x40xi32, #tpu.memory_space<vmem>> -> memref<40xi32, #tpu.memory_space<vmem>>
        %dma_start3A_80 = tpu.memref_slice %arg3[%add3A_27] : memref<1638400xi32, #tpu.memory_space<hbm>> -> memref<40xi32, #tpu.memory_space<hbm>>
        %dma_start3A_81 = arith.constant 0 : i32
        %dma_start3A_82 = tpu.memref_slice %arg5[%run_scoped3A, %dma_start3A_81] : memref<2x40xi32, #tpu.memory_space<vmem>> -> memref<1x40xi32, #tpu.memory_space<vmem>>
        %dma_start3A_83 = tpu.memref_squeeze %dma_start3A_82 : memref<1x40xi32, #tpu.memory_space<vmem>> -> memref<40xi32, #tpu.memory_space<vmem>>
        %dma_start3A_84 = tpu.memref_slice %arg3[%add3A_27] : memref<1638400xi32, #tpu.memory_space<hbm>> -> memref<40xi32, #tpu.memory_space<hbm>>
        tpu.enqueue_dma source(%dma_start3A_84 : memref<40xi32, #tpu.memory_space<hbm>>) target(%dma_start3A_83 : memref<40xi32, #tpu.memory_space<vmem>>) target_semaphore(%run_scoped3A_76 : memref<!tpu.dma_semaphore, #tpu.memory_space<semaphore_mem>>)
        %dma_wait3A_85 = arith.constant 0 : i32
        %dma_wait3A_86 = tpu.memref_slice %arg5[%run_scoped3A, %dma_wait3A_85] : memref<2x40xi32, #tpu.memory_space<vmem>> -> memref<1x40xi32, #tpu.memory_space<vmem>>
        %dma_wait3A_87 = tpu.memref_squeeze %dma_wait3A_86 : memref<1x40xi32, #tpu.memory_space<vmem>> -> memref<40xi32, #tpu.memory_space<vmem>>
        %dma_wait3A_88 = tpu.memref_slice %arg3[%add3A_27] : memref<1638400xi32, #tpu.memory_space<hbm>> -> memref<40xi32, #tpu.memory_space<hbm>>
        %dma_wait3A_89 = arith.constant 0 : i32
        %dma_wait3A_90 = tpu.memref_slice %arg5[%run_scoped3A, %dma_wait3A_89] : memref<2x40xi32, #tpu.memory_space<vmem>> -> memref<1x40xi32, #tpu.memory_space<vmem>>
        %dma_wait3A_91 = tpu.memref_squeeze %dma_wait3A_90 : memref<1x40xi32, #tpu.memory_space<vmem>> -> memref<40xi32, #tpu.memory_space<vmem>>
        %dma_wait3A_92 = tpu.memref_slice %arg3[%add3A_27] : memref<1638400xi32, #tpu.memory_space<hbm>> -> memref<40xi32, #tpu.memory_space<hbm>>
        tpu.wait_dma2 semaphore(%run_scoped3A_76 : memref<!tpu.dma_semaphore, #tpu.memory_space<semaphore_mem>>) src(%dma_wait3A_92 : memref<40xi32, #tpu.memory_space<hbm>>) dst(%dma_wait3A_91 : memref<40xi32, #tpu.memory_space<vmem>>)
        tpu.yield
      }) : () -> ()
      %dma_start3A = arith.constant 0 : i32
      %dma_start3A_30 = arith.constant 0 : i32
      %dma_start3A_31 = tpu.memref_slice %arg5[%dma_start3A, %dma_start3A_30] : memref<2x40xi32, #tpu.memory_space<vmem>> -> memref<1x40xi32, #tpu.memory_space<vmem>>
      %dma_start3A_32 = tpu.memref_squeeze %dma_start3A_31 : memref<1x40xi32, #tpu.memory_space<vmem>> -> memref<40xi32, #tpu.memory_space<vmem>>
      %dma_start3A_33 = arith.constant 0 : i32
      %dma_start3A_34 = arith.constant 0 : i32
      %dma_start3A_35 = tpu.memref_slice %arg2[%dma_start3A_33, %dma_start3A_34] : memref<19x1024xf32, #tpu.memory_space<hbm>> -> memref<19x1024xf32, #tpu.memory_space<hbm>>
      tpu.enqueue_indirect_dma source(%dma_start3A_35 : memref<19x1024xf32, #tpu.memory_space<hbm>>) target(%arg6 : memref<40x1024xf32, #tpu.memory_space<vmem>>) offsets(%dma_start3A_32 : memref<40xi32, #tpu.memory_space<vmem>>) semaphore(%arg8 : memref<!tpu.dma_semaphore, #tpu.memory_space<semaphore_mem>>)
      %dma_wait3A_36 = arith.constant 0 : i32
      %dma_wait3A_37 = arith.constant 0 : i32
      %dma_wait3A_38 = tpu.memref_slice %arg5[%dma_wait3A_36, %dma_wait3A_37] : memref<2x40xi32, #tpu.memory_space<vmem>> -> memref<1x40xi32, #tpu.memory_space<vmem>>
      %dma_wait3A_39 = tpu.memref_squeeze %dma_wait3A_38 : memref<1x40xi32, #tpu.memory_space<vmem>> -> memref<40xi32, #tpu.memory_space<vmem>>
      %dma_wait3A_40 = arith.constant 0 : i32
      %dma_wait3A_41 = arith.constant 0 : i32
      %dma_wait3A_42 = tpu.memref_slice %arg2[%dma_wait3A_40, %dma_wait3A_41] : memref<19x1024xf32, #tpu.memory_space<hbm>> -> memref<19x1024xf32, #tpu.memory_space<hbm>>
      tpu.wait_indirect_dma semaphore(%arg8 : memref<!tpu.dma_semaphore, #tpu.memory_space<semaphore_mem>>) src(%dma_wait3A_42 : memref<19x1024xf32, #tpu.memory_space<hbm>>) dst(%arg6 : memref<40x1024xf32, #tpu.memory_space<vmem>>)
      %dma_start3A_43 = arith.constant 0 : i32
      %dma_start3A_44 = tpu.memref_slice %arg4[%add3A_27, %dma_start3A_43] : memref<1638400x1024xf32, #tpu.memory_space<hbm>> -> memref<40x1024xf32, #tpu.memory_space<hbm>>
      %dma_start3A_45 = arith.constant 0 : i32
      %dma_start3A_46 = tpu.memref_slice %arg4[%add3A_27, %dma_start3A_45] : memref<1638400x1024xf32, #tpu.memory_space<hbm>> -> memref<40x1024xf32, #tpu.memory_space<hbm>>
      tpu.enqueue_dma source(%arg6 : memref<40x1024xf32, #tpu.memory_space<vmem>>) target(%dma_start3A_46 : memref<40x1024xf32, #tpu.memory_space<hbm>>) target_semaphore(%arg9 : memref<!tpu.dma_semaphore, #tpu.memory_space<semaphore_mem>>)
      %add3A_47 = arith.constant 1 : i32
      %add3A_48 = arith.addi %add3A_22, %add3A_47 : i32
      %mul3A_49 = arith.constant 40 : i32
      %mul3A_50 = arith.muli %add3A_48, %mul3A_49 : i32
      %add3A_51 = arith.addi %mul3A_2, %mul3A_50 : i32
      %ge3A_52 = arith.constant 2 : i32
      %ge3A_53 = arith.cmpi sge, %add3A_48, %ge3A_52 : i32
      %convert_element_type3A_54 = arith.extui %ge3A_53 : i1 to i32
      %cond3A_55 = arith.constant 0 : i32
      %cond3A_56 = arith.cmpi ne, %convert_element_type3A_54, %cond3A_55 : i32
      scf.if %cond3A_56 {
        %sub3A = arith.constant 80 : i32
        %sub3A_76 = arith.subi %add3A_51, %sub3A : i32
        %dma_wait3A_77 = arith.constant 0 : i32
        %dma_wait3A_78 = tpu.memref_slice %arg4[%sub3A_76, %dma_wait3A_77] : memref<1638400x1024xf32, #tpu.memory_space<hbm>> -> memref<40x1024xf32, #tpu.memory_space<hbm>>
        %dma_wait3A_79 = arith.constant 0 : i32
        %dma_wait3A_80 = tpu.memref_slice %arg4[%sub3A_76, %dma_wait3A_79] : memref<1638400x1024xf32, #tpu.memory_space<hbm>> -> memref<40x1024xf32, #tpu.memory_space<hbm>>
        tpu.wait_dma2 semaphore(%arg10 : memref<!tpu.dma_semaphore, #tpu.memory_space<semaphore_mem>>) src(%arg7 : memref<40x1024xf32, #tpu.memory_space<vmem>>) dst(%dma_wait3A_80 : memref<40x1024xf32, #tpu.memory_space<hbm>>)
      } else {
      }
      %run_scoped3A_57 = arith.constant 1 : i32
      "tpu.region"() ({
        %run_scoped3A_76 = tpu.sem_alloc : memref<!tpu.dma_semaphore, #tpu.memory_space<semaphore_mem>>
        %dma_start3A_77 = arith.constant 0 : i32
        %dma_start3A_78 = tpu.memref_slice %arg5[%run_scoped3A_57, %dma_start3A_77] : memref<2x40xi32, #tpu.memory_space<vmem>> -> memref<1x40xi32, #tpu.memory_space<vmem>>
        %dma_start3A_79 = tpu.memref_squeeze %dma_start3A_78 : memref<1x40xi32, #tpu.memory_space<vmem>> -> memref<40xi32, #tpu.memory_space<vmem>>
        %dma_start3A_80 = tpu.memref_slice %arg3[%add3A_51] : memref<1638400xi32, #tpu.memory_space<hbm>> -> memref<40xi32, #tpu.memory_space<hbm>>
        %dma_start3A_81 = arith.constant 0 : i32
        %dma_start3A_82 = tpu.memref_slice %arg5[%run_scoped3A_57, %dma_start3A_81] : memref<2x40xi32, #tpu.memory_space<vmem>> -> memref<1x40xi32, #tpu.memory_space<vmem>>
        %dma_start3A_83 = tpu.memref_squeeze %dma_start3A_82 : memref<1x40xi32, #tpu.memory_space<vmem>> -> memref<40xi32, #tpu.memory_space<vmem>>
        %dma_start3A_84 = tpu.memref_slice %arg3[%add3A_51] : memref<1638400xi32, #tpu.memory_space<hbm>> -> memref<40xi32, #tpu.memory_space<hbm>>
        tpu.enqueue_dma source(%dma_start3A_84 : memref<40xi32, #tpu.memory_space<hbm>>) target(%dma_start3A_83 : memref<40xi32, #tpu.memory_space<vmem>>) target_semaphore(%run_scoped3A_76 : memref<!tpu.dma_semaphore, #tpu.memory_space<semaphore_mem>>)
        %dma_wait3A_85 = arith.constant 0 : i32
        %dma_wait3A_86 = tpu.memref_slice %arg5[%run_scoped3A_57, %dma_wait3A_85] : memref<2x40xi32, #tpu.memory_space<vmem>> -> memref<1x40xi32, #tpu.memory_space<vmem>>
        %dma_wait3A_87 = tpu.memref_squeeze %dma_wait3A_86 : memref<1x40xi32, #tpu.memory_space<vmem>> -> memref<40xi32, #tpu.memory_space<vmem>>
        %dma_wait3A_88 = tpu.memref_slice %arg3[%add3A_51] : memref<1638400xi32, #tpu.memory_space<hbm>> -> memref<40xi32, #tpu.memory_space<hbm>>
        %dma_wait3A_89 = arith.constant 0 : i32
        %dma_wait3A_90 = tpu.memref_slice %arg5[%run_scoped3A_57, %dma_wait3A_89] : memref<2x40xi32, #tpu.memory_space<vmem>> -> memref<1x40xi32, #tpu.memory_space<vmem>>
        %dma_wait3A_91 = tpu.memref_squeeze %dma_wait3A_90 : memref<1x40xi32, #tpu.memory_space<vmem>> -> memref<40xi32, #tpu.memory_space<vmem>>
        %dma_wait3A_92 = tpu.memref_slice %arg3[%add3A_51] : memref<1638400xi32, #tpu.memory_space<hbm>> -> memref<40xi32, #tpu.memory_space<hbm>>
        tpu.wait_dma2 semaphore(%run_scoped3A_76 : memref<!tpu.dma_semaphore, #tpu.memory_space<semaphore_mem>>) src(%dma_wait3A_92 : memref<40xi32, #tpu.memory_space<hbm>>) dst(%dma_wait3A_91 : memref<40xi32, #tpu.memory_space<vmem>>)
        tpu.yield
      }) : () -> ()
      %dma_start3A_58 = arith.constant 1 : i32
      %dma_start3A_59 = arith.constant 0 : i32
      %dma_start3A_60 = tpu.memref_slice %arg5[%dma_start3A_58, %dma_start3A_59] : memref<2x40xi32, #tpu.memory_space<vmem>> -> memref<1x40xi32, #tpu.memory_space<vmem>>
      %dma_start3A_61 = tpu.memref_squeeze %dma_start3A_60 : memref<1x40xi32, #tpu.memory_space<vmem>> -> memref<40xi32, #tpu.memory_space<vmem>>
      %dma_start3A_62 = arith.constant 0 : i32
      %dma_start3A_63 = arith.constant 0 : i32
      %dma_start3A_64 = tpu.memref_slice %arg2[%dma_start3A_62, %dma_start3A_63] : memref<19x1024xf32, #tpu.memory_space<hbm>> -> memref<19x1024xf32, #tpu.memory_space<hbm>>
      tpu.enqueue_indirect_dma source(%dma_start3A_64 : memref<19x1024xf32, #tpu.memory_space<hbm>>) target(%arg7 : memref<40x1024xf32, #tpu.memory_space<vmem>>) offsets(%dma_start3A_61 : memref<40xi32, #tpu.memory_space<vmem>>) semaphore(%arg8 : memref<!tpu.dma_semaphore, #tpu.memory_space<semaphore_mem>>)
      %dma_wait3A_65 = arith.constant 1 : i32
      %dma_wait3A_66 = arith.constant 0 : i32
      %dma_wait3A_67 = tpu.memref_slice %arg5[%dma_wait3A_65, %dma_wait3A_66] : memref<2x40xi32, #tpu.memory_space<vmem>> -> memref<1x40xi32, #tpu.memory_space<vmem>>
      %dma_wait3A_68 = tpu.memref_squeeze %dma_wait3A_67 : memref<1x40xi32, #tpu.memory_space<vmem>> -> memref<40xi32, #tpu.memory_space<vmem>>
      %dma_wait3A_69 = arith.constant 0 : i32
      %dma_wait3A_70 = arith.constant 0 : i32
      %dma_wait3A_71 = tpu.memref_slice %arg2[%dma_wait3A_69, %dma_wait3A_70] : memref<19x1024xf32, #tpu.memory_space<hbm>> -> memref<19x1024xf32, #tpu.memory_space<hbm>>
      tpu.wait_indirect_dma semaphore(%arg8 : memref<!tpu.dma_semaphore, #tpu.memory_space<semaphore_mem>>) src(%dma_wait3A_71 : memref<19x1024xf32, #tpu.memory_space<hbm>>) dst(%arg7 : memref<40x1024xf32, #tpu.memory_space<vmem>>)
      %dma_start3A_72 = arith.constant 0 : i32
      %dma_start3A_73 = tpu.memref_slice %arg4[%add3A_51, %dma_start3A_72] : memref<1638400x1024xf32, #tpu.memory_space<hbm>> -> memref<40x1024xf32, #tpu.memory_space<hbm>>
      %dma_start3A_74 = arith.constant 0 : i32
      %dma_start3A_75 = tpu.memref_slice %arg4[%add3A_51, %dma_start3A_74] : memref<1638400x1024xf32, #tpu.memory_space<hbm>> -> memref<40x1024xf32, #tpu.memory_space<hbm>>
      tpu.enqueue_dma source(%arg7 : memref<40x1024xf32, #tpu.memory_space<vmem>>) target(%dma_start3A_75 : memref<40x1024xf32, #tpu.memory_space<hbm>>) target_semaphore(%arg10 : memref<!tpu.dma_semaphore, #tpu.memory_space<semaphore_mem>>)
    }
    %scan3A_6 = arith.constant 640 : i32
    %add3A_7 = arith.constant 51120 : i32
    %add3A_8 = arith.addi %mul3A_2, %add3A_7 : i32
    %dma_wait3A = arith.constant 0 : i32
    %dma_wait3A_9 = tpu.memref_slice %arg4[%add3A_8, %dma_wait3A] : memref<1638400x1024xf32, #tpu.memory_space<hbm>> -> memref<40x1024xf32, #tpu.memory_space<hbm>>
    %dma_wait3A_10 = arith.constant 0 : i32
    %dma_wait3A_11 = tpu.memref_slice %arg4[%add3A_8, %dma_wait3A_10] : memref<1638400x1024xf32, #tpu.memory_space<hbm>> -> memref<40x1024xf32, #tpu.memory_space<hbm>>
    tpu.wait_dma2 semaphore(%arg9 : memref<!tpu.dma_semaphore, #tpu.memory_space<semaphore_mem>>) src(%arg6 : memref<40x1024xf32, #tpu.memory_space<vmem>>) dst(%dma_wait3A_11 : memref<40x1024xf32, #tpu.memory_space<hbm>>)
    %add3A_12 = arith.constant 51160 : i32
    %add3A_13 = arith.addi %mul3A_2, %add3A_12 : i32
    %dma_wait3A_14 = arith.constant 0 : i32
    %dma_wait3A_15 = tpu.memref_slice %arg4[%add3A_13, %dma_wait3A_14] : memref<1638400x1024xf32, #tpu.memory_space<hbm>> -> memref<40x1024xf32, #tpu.memory_space<hbm>>
    %dma_wait3A_16 = arith.constant 0 : i32
    %dma_wait3A_17 = tpu.memref_slice %arg4[%add3A_13, %dma_wait3A_16] : memref<1638400x1024xf32, #tpu.memory_space<hbm>> -> memref<40x1024xf32, #tpu.memory_space<hbm>>
    tpu.wait_dma2 semaphore(%arg10 : memref<!tpu.dma_semaphore, #tpu.memory_space<semaphore_mem>>) src(%arg7 : memref<40x1024xf32, #tpu.memory_space<vmem>>) dst(%dma_wait3A_17 : memref<40x1024xf32, #tpu.memory_space<hbm>>)
    return
  }
}

</mosaic_0001>

<sc_bundles>
// kernel: run.3.cloned.1.call-start
scs
__scs_entry_jumppad:
0x0: {  	(pc) =	sbr.rel $0x88, $3  }
0x1: {  	(tag) =	ssettag $0x0;
	lr =	simm.s32 $0x1  }
0x2: {  	[smem:$0x3F9F] =	sst lr;
	_ =	strace $0xD0000000  }
0x3: {  	_ = 	snop  }
0x4: {  	_ = 	snop  }
0x5: {  	_ = 	snop  }
0x6: {  	_ = 	snop  }
0x7: {  	_ = 	snop  }
__scs_overlays_trampoline_lowered:
0x8: {  	[smem:$0x3FAE] =	sst s0  }
0x9: {  	[smem:$0x3FAF] =	sst s1  }
0xa: {  	[smem:$0x3FB0] =	sst s2  }
0xb: {  	[smem:$0x3FB1] =	sst s3  }
0xc: {  	[smem:$0x3FB2] =	sst s4  }
0xd: {  	[smem:$0x3FB3] =	sst s5  }
0xe: {  	[smem:$0x3FB4] =	sst s6  }
0xf: {  	[smem:$0x3FB5] =	sst s7  }
0x10: {  	[smem:$0x3FB6] =	sst s8  }
0x11: {  	[smem:$0x3FB7] =	sst s9;
	s0 =	simm.s32 @!p0 $0x0  }
0x12: {  	s1 =	sld [smem:$0x3F9D];
	s0 =	simm.s32 @p0 $0x1  }
0x13: {  	[smem:$0x3FB8] =	sst s0;
	s0 =	simm.s32 @!p1 $0x0  }
0x14: {  	s2 =	sld [smem:$0x3F9C];
	s0 =	simm.s32 @p1 $0x1  }
0x15: {  	[smem:$0x3FB9] =	sst s0;
	s0 =	simm.s32 @!p2 $0x0  }
0x16: {  	s3 =	sld [smem:$0x3FDB];
	s0 =	simm.s32 @p2 $0x1  }
0x17: {  	s4 =	simm.s32 $0x1BF5;
	[smem:$0x3FBB] =	sst s0  }
0x18: {  	s0 =	sld [smem:$0x3F9E];
	_ =	swait.ge [sflag:s4], $0x0  }
0x19: {  	s7 =	sld [smem:$0x3F9F]  }
0x1a: {  	s8 =	sadd.s32 $0xFFFFE003, lr  }
0x1b: {  	s9 =	sadd.s32 $0xFFFFFEF7, lr;
	s5 =	simm.s32 $0xFFFFFFFF;
	p2 =	slt.u32 s8, $0xFFFFF086  }
0x1c: {  	p1 =	slt.u32 s9, $0xF7A;
	s5 =	simm.s32 @!p2 $0x0  }
0x1d: {  	s5 =	simm.s32 @p1 $0x1;
	p0 =	seq.s32 s7, s2  }
0x1e: {  	s7 =	smul.u32 @!p0 $0xF7A, s2;
	p2 =	seq.s32 @!p0 s5, $0x0  }
0x1f: {  	s9 =	smul.u32 $0xF7A, s1;
	s8 =	simm.s32 @!p0 $0x1BF5;
	p2 =	por !p2, p0  }
0x20: {  	[sflag:s8] =	ssyncset.s32 @!p0 $0xFFFFF086;
	s6 =	sadd.s32 @!p0 s3, s7;
	s7 =	simm.s32 @!p0 $0x108  }
0x21: {  	s3 =	sadd.s32 s3, s9;
	s6 =	sadd.s32 @!p0 $0x88, s6;
	s7 =	simm.s32 @p2 $0x1082  }
0x22: {  	[simem:s7], [sflag:s8] =	dma.local @!p0 [hbm:s6], $0xF7A  }
0x23: {  	s9 =	sor.u32 $0xD0000000, s2;
	s6 =	simm.s32 $0x108;
	_ =	swait.ge @!p0 [sflag:s8], $0x0  }
0x24: {  	s3 =	sadd.s32 $0x88, s3;
	s6 =	simm.s32 @!p1 $0x1082;
	[sflag:s4] =	ssyncset.s32 $0xFFFFF086  }
0x25: {  	[simem:s6], [sflag:s4] =	dma.local [hbm:s3], $0xF7A  }
0x26: {  	[smem:$0x3F9F] =	sst s1;
	(tag) =	ssettag s2;
	_ =	strace s9  }
0x27: {  	s1 =	sld [smem:$0x3FAF]  }
0x28: {  	s2 =	sld [smem:$0x3FB0]  }
0x29: {  	s4 =	sld [smem:$0x3FB2]  }
0x2a: {  	p0 =	seq.s32 s5, $0x0;
	s5 =	sld [smem:$0x3FB3]  }
0x2b: {  	s6 =	sld [smem:$0x3FB4]  }
0x2c: {  	s7 =	sld [smem:$0x3FB5]  }
0x2d: {  	s3 =	simm.s32 $0x108;
	s8 =	sld [smem:$0x3FB6]  }
0x2e: {  	s3 =	simm.s32 @!p0 $0x1082;
	s9 =	sld [smem:$0x3FB7]  }
0x2f: {  	lr =	sadd.s32 s0, s3;
	s0 =	sld [smem:$0x3FAE]  }
0x30: {  	s3 =	sld [smem:$0x3FB1]  }
0x31: {  	[smem:$0x3FBA] =	sst s10  }
0x32: {  	s10 =	sld [smem:$0x3FB8];
	_ =	sdelay $0x3  }
0x33: {  	p0 =	seq.s32 s10, $0x1;
	s10 =	sld [smem:$0x3FBA];
	_ =	sdelay $0x3  }
0x34: {  	[smem:$0x3FBA] =	sst s10  }
0x35: {  	s10 =	sld [smem:$0x3FB9];
	_ =	sdelay $0x3  }
0x36: {  	p1 =	seq.s32 s10, $0x1;
	s10 =	sld [smem:$0x3FBA];
	_ =	sdelay $0x3  }
0x37: {  	[smem:$0x3FBA] =	sst s10  }
0x38: {  	s10 =	sld [smem:$0x3FBB]  }
0x39: {  	_ = 	snop;
	(pc) =	sbr.ind lr, $3  }
0x3a: {  	_ = 	snop  }
0x3b: {  	_ = 	snop  }
0x3c: {  	p2 =	seq.s32 s10, $0x1;
	s10 =	sld [smem:$0x3FBA]  }
0x3d: {  	_ =	shalt  }
0x3e: {  	_ =	shalt  }
0x3f: {  	_ =	shalt  }
0x40: {  	_ =	shalt  }
0x41: {  	_ =	shalt  }
0x42: {  	_ =	shalt  }
0x43: {  	_ =	shalt  }
0x44: {  	_ =	shalt  }
0x45: {  	_ =	shalt  }
0x46: {  	_ =	shalt  }
0x47: {  	_ =	shalt  }
0x48: {  	_ =	shalt  }
0x49: {  	_ =	shalt  }
0x4a: {  	_ =	shalt  }
0x4b: {  	_ =	shalt  }
0x4c: {  	_ =	shalt  }
0x4d: {  	_ =	shalt  }
0x4e: {  	_ =	shalt  }
0x4f: {  	_ =	shalt  }
0x50: {  	_ =	shalt  }
0x51: {  	_ =	shalt  }
0x52: {  	_ =	shalt  }
0x53: {  	_ =	shalt  }
0x54: {  	_ =	shalt  }
0x55: {  	_ =	shalt  }
0x56: {  	_ =	shalt  }
0x57: {  	_ =	shalt  }
0x58: {  	_ =	shalt  }
0x59: {  	_ =	shalt  }
0x5a: {  	_ =	shalt  }
0x5b: {  	_ =	shalt  }
0x5c: {  	_ =	shalt  }
0x5d: {  	_ =	shalt  }
0x5e: {  	_ =	shalt  }
0x5f: {  	_ =	shalt  }
0x60: {  	_ =	shalt  }
0x61: {  	_ =	shalt  }
0x62: {  	_ =	shalt  }
0x63: {  	_ =	shalt  }
0x64: {  	_ =	shalt  }
0x65: {  	_ =	shalt  }
0x66: {  	_ =	shalt  }
0x67: {  	_ =	shalt  }
0x68: {  	_ =	shalt  }
0x69: {  	_ =	shalt  }
0x6a: {  	_ =	shalt  }
0x6b: {  	_ =	shalt  }
0x6c: {  	_ =	shalt  }
0x6d: {  	_ =	shalt  }
0x6e: {  	_ =	shalt  }
0x6f: {  	_ =	shalt  }
0x70: {  	_ =	shalt  }
0x71: {  	_ =	shalt  }
0x72: {  	_ =	shalt  }
0x73: {  	_ =	shalt  }
0x74: {  	_ =	shalt  }
0x75: {  	_ =	shalt  }
0x76: {  	_ =	shalt  }
0x77: {  	_ =	shalt  }
0x78: {  	_ =	shalt  }
0x79: {  	_ =	shalt  }
0x7a: {  	_ =	shalt  }
0x7b: {  	_ =	shalt  }
0x7c: {  	_ =	shalt  }
0x7d: {  	_ =	shalt  }
0x7e: {  	_ =	shalt  }
0x7f: {  	_ =	shalt  }
0x80: {  	_ =	shalt  }
0x81: {  	_ =	shalt  }
0x82: {  	_ =	shalt  }
0x83: {  	_ =	shalt  }
0x84: {  	_ =	shalt  }
0x85: {  	_ =	shalt  }
0x86: {  	_ =	shalt  }
0x87: {  	_ =	shalt  }
.Lfunc_end0:
.L_simem_size_0:
called_computation_lowered:
.L_overlay_start_0:
0x88: {  	s2 =	sld [smem:$0x3FD9]  }
0x89: {  	s3 =	sld [smem:$0x3FFE];
	_ =	sdelay $0x1  }
0x8a: {  	s1 =	srdreg.scid  }
0x8b: {  	s0 =	sand.u32 $0x1, s1  }
0x8c: {  	s18 =	sshll.u32 s0, $0xA;
	s2 =	sadd.s32 s3, s2  }
0x8d: {  	s2 =	sadd.s32 s2, s18  }
0x8e: {  	[smem:$0x3FC6] =	sst s2  }
0x8f: {  	_ = 	snop  }
0x90: {  	s2 =	sld [smem:$0x3FC9]  }
0x91: {  	s19 =	sld [smem:$0x3FC8]  }
0x92: {  	s4 =	sld [smem:$0x3FD0];
	(tm) =	ssettm $0x1  }
0x93: {  	s5 =	sld [smem:$0x3FFB];
	_ =	sdelay $0x3  }
0x94: {  	_ =	strace s5  }
0x95: {  	s5 =	sld [smem:$0x3FFC];
	_ =	sdelay $0x3  }
0x96: {  	_ =	strace s5  }
0x97: {  	s5 =	sld [smem:$0x3FFD];
	_ =	sdelay $0x3  }
0x98: {  	_ =	strace s5  }
0x99: {  	_ =	strace $0x8FFFFFFF  }
0x9a: {  	s20 =	sld [smem:$0x3FDB];
	_ =	sdelay $0x1  }
0x9b: {  	s6 =	simm.s32 $_scs_section_size  }
0x9c: {  	s7 =	simm.s32 $_size__tile_overlayer_lowered;
	s8 =	simm.s32 $_tile_overlayer_lowered  }
0x9d: {  	s23 =	simm.s32 $0x1BFF;
	s22 =	sshll.u32 s8, $0x1;
	s5 =	sadd.s32 s6, s20  }
0x9e: {  	s9 =	simm.s32 $0x0;
	s21 =	sshll.u32 s7, $0x1;
	s7 =	sadd.s32 s22, s5  }
0x9f: {  	[timem:s9], [sflag:s23] =	dma.local [hbm:s7], s21  }
0xa0: {  	_ =	swait.ge [sflag:s23], s21  }
0xa1: {  	s6 =	ssub.s32 $0x0, s21;
	[sflag:s23] =	ssyncset.done $0x0  }
0xa2: {  	[sflag:s23] =	ssyncadd.s32 s6;
	_ =	sdelay $0x1  }
0xa3: {  	s24 =	simm.s32 $0x1B8B  }
0xa4: {  	_ =	swait.ge [sflag:s24], $0x1  }
0xa5: {  	[sflag:s24] =	ssyncset.done $0x0  }
0xa6: {  	s25 =	simm.s32 $0x1B8E;
	[sflag:s24] =	ssyncadd.s32 $0xFFFFFFFF  }
0xa7: {  	s26 =	simm.s32 $execute0_lowered;
	[smem:$0x3FD2] =	sst s25  }
0xa8: {  	s6 =	sshll.u32 s26, $0x1;
	_ =	strace $0x80000046;
	[dreg:$0x1] =	wrdreg $0xFFFFFFFF  }
0xa9: {  	s28 =	simm.s32 $_size_execute0_lowered;
	s5 =	sadd.s32 s5, s6;
	[dreg:$0x0] =	wrdreg $0x0  }
0xaa: {  	s6 =	sshll.u32 s28, $0x1;
	[dreg:$0x2] =	wrdreg s5  }
0xab: {  	[dreg:$0x3] =	wrdreg s6  }
0xac: {  	[dreg:$0x4] =	wrdreg $0xC0  }
0xad: {  	_ =	task [dreg:s9], $0x5FFFF  }
0xae: {  	[dreg:$0x1] =	wrdreg $0xFFFFFFFF  }
0xaf: {  	[dreg:$0x0] =	wrdreg $0x60  }
0xb0: {  	[dreg:$0x2] =	wrdreg s2  }
0xb1: {  	[dreg:$0x3] =	wrdreg s19  }
0xb2: {  	[dreg:$0x4] =	wrdreg s4  }
0xb3: {  	[dreg:$0x5] =	wrdreg $0x9  }
0xb4: {  	_ =	task.clear_ibuf [dreg:s9], $0x6FFFF;
	_ =	strace $0x90000046  }
0xb5: {  	s29 =	simm.s32 $0x9;
	_ =	strace $0x80000048  }
0xb6: {  	_ =	swait.ge [sflag:s29], $0x1  }
0xb7: {  	[sflag:s29] =	ssyncadd.s32 $0xFFFFFFFF  }
0xb8: {  	_ =	strace $0x90000048  }
0xb9: {  	_ =	sfence  }
0xba: {  	s30 =	sld [smem:$0x0];
	_ =	sdelay $0x2  }
0xbb: {  	s31 =	sshll.u32 s1, $0xD;
	s1 =	sshrl.u32 s1, $0x2  }
0xbc: {  	s3 =	sand.u32 $0x4000, s31;
	s1 =	sadd.s32 s1, s30  }
0xbd: {  	s0 =	sor.u32 s3, s0;
	s1 =	sshll.u32 s1, $0x11  }
0xbe: {  	s0 =	sor.u32 s1, s0  }
0xbf: {  	s0 =	sadd.s32 $0x8F2B, s0  }
0xc0: {  	[sflag:s0] =	ssyncadd.remote.s32 $0x1  }
0xc1: {  	_ =	sfence.sel $0xFFFF  }
0xc2: {  	[dreg:$0x0] =	wrdreg $0xFFFFFFFF;
	(pc) =	sbr.abs _section_cstart, $3  }
0xc3: {  	[dreg:$0x1] =	wrdreg $0xFFFFFFFF  }
0xc4: {  	_ =	task.clear_ibuf [dreg:s9], $0x2FFFF;
	_ =	strace $0x9FFFFFFF  }
0xc5: {  	(tm) =	ssettm $0x7FFFFFFF  }
tec
execute0_lowered:
.L_overlay_start_1:
0x0: {  	(tag) =	ssettag $0x1  }
0x1: {  	s1 =	rddreg [dreg:$0x0]  }
0x2: {  	s0 =	rddreg [dreg:$0x1]  }
0x3: {  	s4 =	rddreg [dreg:$0x2];
	s3 =	simm.s32 $0x0  }
0x4: {  	s19 =	simm.s32 $0x900;
	[smem:$0x7FF] =	sst s3  }
0x5: {  	s20 =	simm.s32 $0x1100;
	_ =	strace $0x80000047;
	[dreg:$0x5] =	wrdreg s19  }
0x6: {  	s21 =	simm.s32 $0x1900;
	[dreg:$0x6] =	wrdreg s20  }
0x7: {  	s22 =	simm.s32 $0x2100;
	[dreg:$0x7] =	wrdreg s21  }
0x8: {  	s23 =	simm.s32 $0x2900;
	[dreg:$0x8] =	wrdreg s22  }
0x9: {  	s24 =	simm.s32 $0x3100;
	[dreg:$0x9] =	wrdreg s23  }
0xa: {  	s2 =	srdreg.scid;
	s25 =	simm.s32 $0x3900;
	[dreg:$0xa] =	wrdreg s24  }
0xb: {  	s9 =	stileid.u32;
	s26 =	simm.s32 $0x4100;
	[dreg:$0xb] =	wrdreg s25  }
0xc: {  	s8 =	simm.s32 $0x5100;
	s10 =	simm.s32 $0x5900;
	[dreg:$0xc] =	wrdreg s26  }
0xd: {  	s11 =	simm.s32 $0x6100;
	s12 =	simm.s32 $0x7100;
	[dreg:$0xe] =	wrdreg s8  }
0xe: {  	s13 =	simm.s32 $0x7900;
	s14 =	simm.s32 $0x8100;
	[dreg:$0xf] =	wrdreg s10  }
0xf: {  	s15 =	simm.s32 $0x8900;
	s17 =	simm.s32 $0x9100;
	[dreg:$0x10] =	wrdreg s11  }
0x10: {  	s28 =	simm.s32 $0x2;
	s29 =	simm.s32 $0x3;
	[dreg:$0x12] =	wrdreg s12  }
0x11: {  	s30 =	simm.s32 $0x0;
	s5 =	smul.u32 $0xC80000, s9;
	[dreg:$0x13] =	wrdreg s13  }
0x12: {  	s2 =	sand.u32 $0x1, s2;
	s9 =	smul.u32 $0x19000, s9;
	[dreg:$0x14] =	wrdreg s14  }
0x13: {  	s6 =	smul.u32 $0x640000, s2;
	s31 =	ssub.s32 $0x2, s2;
	[dreg:$0x15] =	wrdreg s15  }
0x14: {  	s8 =	simm.s32 $0x6900;
	s2 =	smul.u32 $0xC800, s2;
	[dreg:$0x16] =	wrdreg s17  }
0x15: {  	s19 =	simm.s32 $0x9900;
	s20 =	simm.s32 $0x80;
	s22 =	simm.s32 $0xA900  }
0x16: {  	s23 =	simm.s32 $0xB100;
	s24 =	simm.s32 $0xB900;
	[dreg:$0x11] =	wrdreg s8  }
0x17: {  	s10 =	simm.s32 $0x4;
	s25 =	simm.s32 $0xC100;
	[dreg:$0x17] =	wrdreg s19  }
0x18: {  	s11 =	simm.s32 $0x100;
	s26 =	simm.s32 $0xC900;
	[dreg:$0x18] =	wrdreg s20  }
0x19: {  	s12 =	simm.s32 $0x1;
	s13 =	simm.s32 $0xA100;
	[dreg:$0x19] =	wrdreg s22  }
0x1a: {  	s14 =	simm.s32 $0xD900;
	s15 =	simm.s32 $0xE100;
	[dreg:$0x1a] =	wrdreg s23  }
0x1b: {  	s17 =	simm.s32 $0xF100;
	s4 =	sadd.s32 s5, s4;
	[dreg:$0x1b] =	wrdreg s24  }
0x1c: {  	s7 =	sshrl.u32 s31, $0x1;
	s5 =	sadd.s32 $0x200, s1;
	[dreg:$0x1c] =	wrdreg s25  }
0x1d: {  	[dreg:$0x1d] =	wrdreg s26;
	s19 =	simm.s32 $0x10100;
	s20 =	simm.s32 $0x10900  }
0x1e: {  	s22 =	simm.s32 $0x11900;
	s23 =	simm.s32 $0x12100;
	s24 =	simm.s32 $0x12900  }
0x1f: {  	s25 =	simm.s32 $0x13100;
	s26 =	simm.s32 $0x13900;
	s4 =	sadd.s32 s6, s4  }
0x20: {  	s6 =	simm.s32 $0x4900;
	s7 =	ssub.s32 s31, s7;
	[dreg:$0x4] =	wrdreg s4  }
0x21: {  	s16 =	sadd.s32 s2, s9;
	s31 =	simm.s32 $0xD100;
	[dreg:$0xd] =	wrdreg s6  }
0x22: {  	s4 =	sadd.s32 $0x100, s1;
	s7 =	smax.u32 s7, $0x1;
	s18 =	sor.u32 $0x28, s16  }
0x23: {  	s6 =	sadd.s32 $0x300, s1;
	[dreg:$0x1f] =	wrdreg s7;
	s7 =	sshrl.u32 s18, $0x3  }
0x24: {  	v2 =	vlaneseq.u32;
	s8 =	sshrl.u32 s16, $0x3;
	[dreg:$0x1e] =	wrdreg s31;
	s21 =	sadd.s32 s7, s0  }
0x25: {  	vm0 =	vmmov $0xffff;
	v1 =	vshrl.u32 v2, $0x3;
	s16 =	simm.s32 $0xE900;
	s0 =	sadd.s32 s8, s0;
	[smem:$0x7FC] =	sst s21  }
0x26: {  	v0 =	vand.u32 $0x7, v2;
	v2 =	vor.u32 $0x8, v2;
	v1 =	vmul.u32 $0x8, v1;
	s18 =	simm.s32 $0xF900;
	[smem:$0x7FD] =	sst s0;
	s21 =	simm.s32 $0x11100  }
.LBB2_1:
0x27: {  	s31 =	sld [smem:$0x7FD]  }
0x28: {  	s8 =	sld [smem:$0x7FC];
	s0 =	simm.s32 $0x0  }
.LBB2_2:
0x29: {  	p0 =	seq.s32 s0, $0x0  }
0x2a: {  	s7 =	simm.s32 @!p0 $0x2  }
0x2b: {  	_ =	swait.ge @!p0 [sflag:s7], $0xA000  }
0x2c: {  	[sflag:s7] =	ssyncset.done @!p0 $0x0  }
0x2d: {  	[sflag:s7] =	ssyncadd.s32 @!p0 $0xFFFF6000  }
0x2e: {  	[tilespmem:s3], [sflag:$0x4] =	stream.linear.gather [hbm4b:s31+s3], $0x28, $0x38;
	[tilespmem:$0x14100] =	vst v63  }
0x2f: {  	_ =	swait.ge [sflag:s10], $0x28  }
0x30: {  	[sflag:s10] =	ssyncset.done $0x0  }
0x31: {  	[sflag:s10] =	ssyncadd.s32 $0xFFFFFFD8  }
0x32: {  	v3 =	vld [tilespmem:$0x0];
	_ =	sdelay $0x4  }
0x33: {  	v4 =	vshll.u32 v3, $0x3  }
0x34: {  	v3 =	vand.u32 $0x7, v3;
	v4 =	vand.u32 $0xFFFFFFC0, v4  }
0x35: {  	v3 =	vor.u32 v3, v4  }
0x36: {  	v4 =	vperm.xlane v3, v0;
	_ =	sdelay $0x1  }
0x37: {  	v4 =	vadd.s32 v1, v4;
	_ =	sdelay $0x4  }
0x38: {  	[tilespmem:s11], [sflag:$0x1] =	stream.indirect_vreg.gather [hbm4b:s1+s3], $0x80, v4, vm0, $0xb8;
	[tilespmem:$0x14100] =	vst v63  }
0x39: {  	s9 =	rddreg [dreg:$0x5];
	v3 =	vperm.xlane v3, v2  }
0x3a: {  	[tilespmem:s9], [sflag:$0x1] =	stream.indirect_vreg.gather [hbm4b:s4+s3], $0x80, v4, vm0, $0xb8;
	[tilespmem:$0x14100] =	vst v63  }
0x3b: {  	s2 =	rddreg [dreg:$0x6];
	v3 =	vadd.s32 v1, v3  }
0x3c: {  	[tilespmem:s2], [sflag:$0x1] =	stream.indirect_vreg.gather [hbm4b:s5+s3], $0x80, v4, vm0, $0xb8;
	[tilespmem:$0x14100] =	vst v63  }
0x3d: {  	s9 =	rddreg [dreg:$0x7]  }
0x3e: {  	[tilespmem:s9], [sflag:$0x1] =	stream.indirect_vreg.gather [hbm4b:s6+s3], $0x80, v4, vm0, $0xb8;
	[tilespmem:$0x14100] =	vst v63  }
0x3f: {  	s2 =	rddreg [dreg:$0x8]  }
0x40: {  	[tilespmem:s2], [sflag:$0x1] =	stream.indirect_vreg.gather [hbm4b:s1+s3], $0x80, v3, vm0, $0xb8;
	[tilespmem:$0x14100] =	vst v63  }
0x41: {  	s9 =	rddreg [dreg:$0x9]  }
0x42: {  	[tilespmem:s9], [sflag:$0x1] =	stream.indirect_vreg.gather [hbm4b:s4+s3], $0x80, v3, vm0, $0xb8;
	[tilespmem:$0x14100] =	vst v63  }
0x43: {  	s2 =	rddreg [dreg:$0xa]  }
0x44: {  	[tilespmem:s2], [sflag:$0x1] =	stream.indirect_vreg.gather [hbm4b:s5+s3], $0x80, v3, vm0, $0xb8;
	[tilespmem:$0x14100] =	vst v63  }
0x45: {  	s9 =	rddreg [dreg:$0xb]  }
0x46: {  	[tilespmem:s9], [sflag:$0x1] =	stream.indirect_vreg.gather [hbm4b:s6+s3], $0x80, v3, vm0, $0xb8;
	[tilespmem:$0x14100] =	vst v63  }
0x47: {  	v3 =	vld [tilespmem:$0x10];
	_ =	sdelay $0x4  }
0x48: {  	v59 =	vshll.u32 v3, $0x3  }
0x49: {  	v3 =	vand.u32 $0x7, v3;
	v4 =	vand.u32 $0xFFFFFFC0, v59  }
0x4a: {  	v3 =	vor.u32 v3, v4  }
0x4b: {  	v4 =	vperm.xlane v3, v0;
	_ =	sdelay $0x1  }
0x4c: {  	v4 =	vadd.s32 v1, v4;
	_ =	sdelay $0x3  }
0x4d: {  	s7 =	rddreg [dreg:$0xc]  }
0x4e: {  	[tilespmem:s7], [sflag:$0x1] =	stream.indirect_vreg.gather [hbm4b:s1+s3], $0x80, v4, vm0, $0xb8;
	[tilespmem:$0x14100] =	vst v63  }
0x4f: {  	s9 =	rddreg [dreg:$0xd];
	v3 =	vperm.xlane v3, v2  }
0x50: {  	[tilespmem:s9], [sflag:$0x1] =	stream.indirect_vreg.gather [hbm4b:s4+s3], $0x80, v4, vm0, $0xb8;
	[tilespmem:$0x14100] =	vst v63  }
0x51: {  	s2 =	rddreg [dreg:$0xe];
	v3 =	vadd.s32 v1, v3  }
0x52: {  	[tilespmem:s2], [sflag:$0x1] =	stream.indirect_vreg.gather [hbm4b:s5+s3], $0x80, v4, vm0, $0xb8;
	[tilespmem:$0x14100] =	vst v63  }
0x53: {  	s9 =	rddreg [dreg:$0xf]  }
0x54: {  	[tilespmem:s9], [sflag:$0x1] =	stream.indirect_vreg.gather [hbm4b:s6+s3], $0x80, v4, vm0, $0xb8;
	[tilespmem:$0x14100] =	vst v63  }
0x55: {  	s2 =	rddreg [dreg:$0x10]  }
0x56: {  	[tilespmem:s2], [sflag:$0x1] =	stream.indirect_vreg.gather [hbm4b:s1+s3], $0x80, v3, vm0, $0xb8;
	[tilespmem:$0x14100] =	vst v63  }
0x57: {  	s9 =	rddreg [dreg:$0x11]  }
0x58: {  	[tilespmem:s9], [sflag:$0x1] =	stream.indirect_vreg.gather [hbm4b:s4+s3], $0x80, v3, vm0, $0xb8;
	[tilespmem:$0x14100] =	vst v63  }
0x59: {  	s2 =	rddreg [dreg:$0x12]  }
0x5a: {  	[tilespmem:s2], [sflag:$0x1] =	stream.indirect_vreg.gather [hbm4b:s5+s3], $0x80, v3, vm0, $0xb8;
	[tilespmem:$0x14100] =	vst v63  }
0x5b: {  	s9 =	rddreg [dreg:$0x13]  }
0x5c: {  	[tilespmem:s9], [sflag:$0x1] =	stream.indirect_vreg.gather [hbm4b:s6+s3], $0x80, v3, vm0, $0xb8;
	[tilespmem:$0x14100] =	vst v63  }
0x5d: {  	v3 =	vld.msk [tilespmem:$0x20], $0xff;
	_ =	sdelay $0x4  }
0x5e: {  	v60 =	vshll.u32 v3, $0x3  }
0x5f: {  	v3 =	vand.u32 $0x7, v3;
	v4 =	vand.u32 $0xFFFFFFC0, v60  }
0x60: {  	v3 =	vor.u32 v3, v4  }
0x61: {  	v3 =	vperm.xlane v3, v0;
	_ =	sdelay $0x1  }
0x62: {  	v3 =	vadd.s32 v1, v3;
	_ =	sdelay $0x3  }
0x63: {  	s7 =	rddreg [dreg:$0x14]  }
0x64: {  	[tilespmem:s7], [sflag:$0x1] =	stream.indirect_vreg.gather [hbm4b:s1+s3], $0x80, v3, vm0, $0xb8;
	[tilespmem:$0x14100] =	vst v63  }
0x65: {  	s9 =	rddreg [dreg:$0x15]  }
0x66: {  	[tilespmem:s9], [sflag:$0x1] =	stream.indirect_vreg.gather [hbm4b:s4+s3], $0x80, v3, vm0, $0xb8;
	[tilespmem:$0x14100] =	vst v63  }
0x67: {  	s2 =	rddreg [dreg:$0x16]  }
0x68: {  	[tilespmem:s2], [sflag:$0x1] =	stream.indirect_vreg.gather [hbm4b:s5+s3], $0x80, v3, vm0, $0xb8;
	[tilespmem:$0x14100] =	vst v63  }
0x69: {  	s9 =	rddreg [dreg:$0x17]  }
0x6a: {  	[tilespmem:s9], [sflag:$0x1] =	stream.indirect_vreg.gather [hbm4b:s6+s3], $0x80, v3, vm0, $0xb8;
	[tilespmem:$0x14100] =	vst v63  }
0x6b: {  	_ =	swait.ge [sflag:s12], $0xA000  }
0x6c: {  	s7 =	rddreg [dreg:$0x4];
	[sflag:s12] =	ssyncset.done $0x0  }
0x6d: {  	s2 =	simm.s32 @!p0 $0x3;
	[sflag:s12] =	ssyncadd.s32 $0xFFFF6000;
	s7 =	sadd.s32 s0, s7  }
0x6e: {  	[hbm4b:s7+s3] =	stream.linear.scatter [tilespmem:s11], [sflag:$0x2], $0xA000, $0x38;
	[tilespmem:$0x14100] =	vst v63  }
0x6f: {  	_ =	swait.ge @!p0 [sflag:s2], $0xA000  }
0x70: {  	[sflag:s2] =	ssyncset.done @!p0 $0x0  }
0x71: {  	s9 =	rddreg [dreg:$0x18];
	[sflag:s2] =	ssyncadd.s32 @!p0 $0xFFFF6000  }
0x72: {  	[tilespmem:s9], [sflag:$0x4] =	stream.linear.gather [hbm4b:s8+s3], $0x28, $0x38;
	[tilespmem:$0x14100] =	vst v63  }
0x73: {  	_ =	swait.ge [sflag:s10], $0x28  }
0x74: {  	[sflag:s10] =	ssyncset.done $0x0  }
0x75: {  	[sflag:s10] =	ssyncadd.s32 $0xFFFFFFD8  }
0x76: {  	v3 =	vld [tilespmem:$0x80];
	_ =	sdelay $0x4  }
0x77: {  	v61 =	vshll.u32 v3, $0x3  }
0x78: {  	v3 =	vand.u32 $0x7, v3;
	v4 =	vand.u32 $0xFFFFFFC0, v61  }
0x79: {  	v3 =	vor.u32 v3, v4  }
0x7a: {  	v4 =	vperm.xlane v3, v0;
	_ =	sdelay $0x1  }
0x7b: {  	v4 =	vadd.s32 v1, v4;
	_ =	sdelay $0x4  }
0x7c: {  	[tilespmem:s13], [sflag:$0x1] =	stream.indirect_vreg.gather [hbm4b:s1+s3], $0x80, v4, vm0, $0xb8;
	[tilespmem:$0x14100] =	vst v63  }
0x7d: {  	s2 =	rddreg [dreg:$0x19];
	v3 =	vperm.xlane v3, v2  }
0x7e: {  	[tilespmem:s2], [sflag:$0x1] =	stream.indirect_vreg.gather [hbm4b:s4+s3], $0x80, v4, vm0, $0xb8;
	[tilespmem:$0x14100] =	vst v63  }
0x7f: {  	s9 =	rddreg [dreg:$0x1a];
	v3 =	vadd.s32 v1, v3  }
0x80: {  	[tilespmem:s9], [sflag:$0x1] =	stream.indirect_vreg.gather [hbm4b:s5+s3], $0x80, v4, vm0, $0xb8;
	[tilespmem:$0x14100] =	vst v63  }
0x81: {  	s2 =	rddreg [dreg:$0x1b]  }
0x82: {  	[tilespmem:s2], [sflag:$0x1] =	stream.indirect_vreg.gather [hbm4b:s6+s3], $0x80, v4, vm0, $0xb8;
	[tilespmem:$0x14100] =	vst v63  }
0x83: {  	s9 =	rddreg [dreg:$0x1c]  }
0x84: {  	[tilespmem:s9], [sflag:$0x1] =	stream.indirect_vreg.gather [hbm4b:s1+s3], $0x80, v3, vm0, $0xb8;
	[tilespmem:$0x14100] =	vst v63  }
0x85: {  	s2 =	rddreg [dreg:$0x1d]  }
0x86: {  	[tilespmem:s2], [sflag:$0x1] =	stream.indirect_vreg.gather [hbm4b:s4+s3], $0x80, v3, vm0, $0xb8;
	[tilespmem:$0x14100] =	vst v63  }
0x87: {  	s9 =	rddreg [dreg:$0x1e]  }
0x88: {  	[tilespmem:s9], [sflag:$0x1] =	stream.indirect_vreg.gather [hbm4b:s5+s3], $0x80, v3, vm0, $0xb8;
	[tilespmem:$0x14100] =	vst v63  }
0x89: {  	_ = 	snop  }
0x8a: {  	[tilespmem:s14], [sflag:$0x1] =	stream.indirect_vreg.gather [hbm4b:s6+s3], $0x80, v3, vm0, $0xb8;
	[tilespmem:$0x14100] =	vst v63  }
0x8b: {  	v3 =	vld [tilespmem:$0x90];
	_ =	sdelay $0x4  }
0x8c: {  	v62 =	vshll.u32 v3, $0x3  }
0x8d: {  	v3 =	vand.u32 $0x7, v3;
	v4 =	vand.u32 $0xFFFFFFC0, v62  }
0x8e: {  	v3 =	vor.u32 v3, v4  }
0x8f: {  	v4 =	vperm.xlane v3, v0;
	_ =	sdelay $0x1  }
0x90: {  	v4 =	vadd.s32 v1, v4;
	_ =	sdelay $0x4  }
0x91: {  	[tilespmem:s15], [sflag:$0x1] =	stream.indirect_vreg.gather [hbm4b:s1+s3], $0x80, v4, vm0, $0xb8;
	[tilespmem:$0x14100] =	vst v63  }
0x92: {  	v3 =	vperm.xlane v3, v2  }
0x93: {  	[tilespmem:s16], [sflag:$0x1] =	stream.indirect_vreg.gather [hbm4b:s4+s3], $0x80, v4, vm0, $0xb8;
	[tilespmem:$0x14100] =	vst v63  }
0x94: {  	v3 =	vadd.s32 v1, v3  }
0x95: {  	[tilespmem:s17], [sflag:$0x1] =	stream.indirect_vreg.gather [hbm4b:s5+s3], $0x80, v4, vm0, $0xb8;
	[tilespmem:$0x14100] =	vst v63  }
0x96: {  	_ = 	snop  }
0x97: {  	[tilespmem:s18], [sflag:$0x1] =	stream.indirect_vreg.gather [hbm4b:s6+s3], $0x80, v4, vm0, $0xb8;
	[tilespmem:$0x14100] =	vst v63  }
0x98: {  	_ = 	snop  }
0x99: {  	[tilespmem:s19], [sflag:$0x1] =	stream.indirect_vreg.gather [hbm4b:s1+s3], $0x80, v3, vm0, $0xb8;
	[tilespmem:$0x14100] =	vst v63  }
0x9a: {  	_ = 	snop  }
0x9b: {  	[tilespmem:s20], [sflag:$0x1] =	stream.indirect_vreg.gather [hbm4b:s4+s3], $0x80, v3, vm0, $0xb8;
	[tilespmem:$0x14100] =	vst v63  }
0x9c: {  	_ = 	snop  }
0x9d: {  	[tilespmem:s21], [sflag:$0x1] =	stream.indirect_vreg.gather [hbm4b:s5+s3], $0x80, v3, vm0, $0xb8;
	[tilespmem:$0x14100] =	vst v63  }
0x9e: {  	_ = 	snop  }
0x9f: {  	[tilespmem:s22], [sflag:$0x1] =	stream.indirect_vreg.gather [hbm4b:s6+s3], $0x80, v3, vm0, $0xb8;
	[tilespmem:$0x14100] =	vst v63  }
0xa0: {  	v3 =	vld.msk [tilespmem:$0xA0], $0xff;
	_ =	sdelay $0x4  }
0xa1: {  	v63 =	vshll.u32 v3, $0x3  }
0xa2: {  	v3 =	vand.u32 $0x7, v3;
	v4 =	vand.u32 $0xFFFFFFC0, v63  }
0xa3: {  	v3 =	vor.u32 v3, v4  }
0xa4: {  	v3 =	vperm.xlane v3, v0;
	_ =	sdelay $0x1  }
0xa5: {  	v3 =	vadd.s32 v1, v3;
	_ =	sdelay $0x4  }
0xa6: {  	[tilespmem:s23], [sflag:$0x1] =	stream.indirect_vreg.gather [hbm4b:s1+s3], $0x80, v3, vm0, $0xb8;
	[tilespmem:$0x14100] =	vst v63  }
0xa7: {  	_ = 	snop  }
0xa8: {  	[tilespmem:s24], [sflag:$0x1] =	stream.indirect_vreg.gather [hbm4b:s4+s3], $0x80, v3, vm0, $0xb8;
	[tilespmem:$0x14100] =	vst v63  }
0xa9: {  	s0 =	sadd.s32 $0x2800, s0  }
0xaa: {  	[tilespmem:s25], [sflag:$0x1] =	stream.indirect_vreg.gather [hbm4b:s5+s3], $0x80, v3, vm0, $0xb8;
	[tilespmem:$0x14100] =	vst v63  }
0xab: {  	p0 =	sne.s32 s0, $0x640000  }
0xac: {  	[tilespmem:s26], [sflag:$0x1] =	stream.indirect_vreg.gather [hbm4b:s6+s3], $0x80, v3, vm0, $0xb8;
	[tilespmem:$0x14100] =	vst v63  }
.Ltmp0:
0xad: {  	_ = 	snop;
	(pc) =	sbr.rel @p0 .LBB2_2-.Ltmp0, $4  }
0xae: {  	_ =	swait.ge [sflag:s12], $0xA000  }
0xaf: {  	s31 =	sadd.s32 $0xA, s31;
	[sflag:s12] =	ssyncset.done $0x0  }
0xb0: {  	s8 =	sadd.s32 $0xA, s8;
	s9 =	sadd.s32 $0x1400, s7;
	[sflag:s12] =	ssyncadd.s32 $0xFFFF6000  }
0xb1: {  	[hbm4b:s9+s3] =	stream.linear.scatter [tilespmem:s13], [sflag:$0x3], $0xA000, $0x38;
	[tilespmem:$0x14100] =	vst v63  }
0xb2: {  	_ =	swait.ge [sflag:s28], $0xA000  }
0xb3: {  	[sflag:s28] =	ssyncset.done $0x0  }
0xb4: {  	[sflag:s28] =	ssyncadd.s32 $0xFFFF6000  }
0xb5: {  	_ =	swait.ge [sflag:s29], $0xA000  }
0xb6: {  	s30 =	sadd.s32 $0x1, s30;
	s0 =	rddreg [dreg:$0x1f]  }
0xb7: {  	p0 =	sne.s32 s30, s0  }
.Ltmp1:
0xb8: {  	_ = 	snop;
	(pc) =	sbr.rel @p0 .LBB2_1-.Ltmp1, $3  }
0xb9: {  	_ =	sdelay $0x1  }
0xba: {  	[sflag:s29] =	ssyncset.done $0x0  }
0xbb: {  	[sflag:s29] =	ssyncadd.s32 $0xFFFF6000  }
0xbc: {  	_ =	sfence.sel $0x180000  }
0xbd: {  	[bflag:$0x0] =	sbarrier.arrive $0xFFFF  }
0xbe: {  	_ =	strace $0x90000047  }
0xbf: {  	s0 =	stileid.u32;
	[bflag:$0x2] =	sbarrier.arrive $0xFFFF  }
0xc0: {  	p0 =	sne.s32 s0, $0x0;
	s0 =	rddreg [dreg:$0x3]  }
0xc1: {  	s0 =	sadd.s32 @!p0 $0x100000, s0  }
0xc2: {  	[sflag:s0] =	ssyncadd.tile.s32 @!p0 $0x1;
	_ =	shalt  }
.Lfunc_end2:
_tile_overlayer_lowered:
.L_overlay_start_2:
0xc3: {  	(tag) =	ssettag $0x2  }
0xc4: {  	s0 =	rddreg [dreg:$0x0];
	s2 =	stileid.u32  }
0xc5: {  	s1 =	rddreg [dreg:$0x1];
	p0 =	sne.s32 s2, $0x0  }
0xc6: {  	s3 =	rddreg [dreg:$0x2];
	[bflag:$0x3] =	sbarrier.arrive $0xFFFF;
	s2 =	simm.s32 @!p0 $0x1C04  }
0xc7: {  	[timem:s3], [sflag:s2] =	dma.local @!p0 [hbm:s0], s1  }
0xc8: {  	s0 =	simm.s32 @!p0 $0x4  }
0xc9: {  	_ =	swait.ge @!p0 [sflag:s0], s1  }
0xca: {  	s1 =	ssub.s32 @!p0 $0x0, s1;
	[sflag:s0] =	ssyncset.done @!p0 $0x0  }
0xcb: {  	[sflag:s0] =	ssyncadd.s32 @!p0 s1  }
0xcc: {  	[bflag:$0x3] =	sbarrier.arrive $0xFFFF  }
0xcd: {  	_ =	shalt  }

</sc_bundles>
